<compile_context>
chip_gen: v7x
topology: tpu7x:2x2x1
jax: 0.10.2.dev20260603
libtpu: 0.0.44.dev20260713+nightly
codegen_flags: <defaults>
</compile_context>

<pallas_src>
import jax
import jax.numpy as jnp
from jax import lax
from jax.experimental import pallas as pl
from jax.experimental.pallas import tpu as pltpu
from jax.experimental.pallas import tpu_sc as plsc

NUM_CORES = 2
NUM_SUBCORES = 16
NW = NUM_CORES * NUM_SUBCORES

NUM_ROWS = 1000000
BATCH = 16384
EMBED_K = 64
BPW = BATCH // NW


def _sc_body(users_h, items_h, gut_h, git_h, xui_h, gut_o, git_o,
             idx_u, idx_i, panel_u, panel_i, xui_v,
             sem_u, sem_i, sem_ou, sem_oi):
    wid = lax.axis_index("s") * NUM_CORES + lax.axis_index("c")
    base = wid * BPW

    pltpu.sync_copy(users_h.at[pl.ds(base, BPW)], idx_u)
    pltpu.sync_copy(items_h.at[pl.ds(base, BPW)], idx_i)

    def gather_k(k, _):
        cu = pltpu.async_copy(gut_h.at[k].at[idx_u], panel_u.at[k], sem_u)
        ci = pltpu.async_copy(git_h.at[k].at[idx_i], panel_i.at[k], sem_i)
        cu.wait()
        ci.wait()
        return _

    lax.fori_loop(0, EMBED_K, gather_k, 0)

    ou = pltpu.async_copy(panel_u, gut_o.at[:, pl.ds(base, BPW)], sem_ou)
    oi = pltpu.async_copy(panel_i, git_o.at[:, pl.ds(base, BPW)], sem_oi)

    def dot_k(k, _):
        def vec(g, c):
            u16 = panel_u[k, pl.ds(g * 16, 16)]
            i16 = panel_i[k, pl.ds(g * 16, 16)]
            xui_v[pl.ds(g * 16, 16)] = xui_v[pl.ds(g * 16, 16)] + u16 * i16
            return c
        lax.fori_loop(0, BPW // 16, vec, 0)
        return _

    def zero(g, c):
        xui_v[pl.ds(g * 16, 16)] = jnp.zeros((16,), jnp.float32)
        return c

    lax.fori_loop(0, BPW // 16, zero, 0)
    lax.fori_loop(0, EMBED_K, dot_k, 0)

    pltpu.sync_copy(xui_v, xui_h.at[pl.ds(base, BPW)])
    ou.wait()
    oi.wait()


def _sc_gather(users, items, GuT, GiT):
    mesh = plsc.VectorSubcoreMesh(
        core_axis_name="c", subcore_axis_name="s",
        num_cores=NUM_CORES, num_subcores=NUM_SUBCORES)
    return pl.kernel(
        _sc_body,
        out_type=(
            jax.ShapeDtypeStruct((BATCH,), jnp.float32),
            jax.ShapeDtypeStruct((EMBED_K, BATCH), jnp.float32),
            jax.ShapeDtypeStruct((EMBED_K, BATCH), jnp.float32),
        ),
        mesh=mesh,
        compiler_params=pltpu.CompilerParams(
            needs_layout_passes=False, use_tc_tiling_on_sc=False),
        scratch_types=[
            pltpu.VMEM((BPW,), jnp.int32),
            pltpu.VMEM((BPW,), jnp.int32),
            pltpu.VMEM((EMBED_K, BPW), jnp.float32),
            pltpu.VMEM((EMBED_K, BPW), jnp.float32),
            pltpu.VMEM((BPW,), jnp.float32),
            pltpu.SemaphoreType.DMA,
            pltpu.SemaphoreType.DMA,
            pltpu.SemaphoreType.DMA,
            pltpu.SemaphoreType.DMA,
        ],
    )(users, items, GuT, GiT)


@jax.jit
def _impl(users, items, Gu, Gi):
    xui, gut, git = _sc_gather(users, items, Gu.T, Gi.T)
    return xui, gut.T, git.T


def kernel(users, items, Gu, Gi):
    xui, gamma_u, gamma_i = _impl(users, items, Gu, Gi)
    return (xui, gamma_u, gamma_i)

# --- scband reference (transcript-rebuilt; emitter-appended) ---
"""Pipeline reference for scband-rslogic2-model-6734508720795 (READ-ONLY COPY).

The authoritative reference and input builder live on the scoring server;
editing this copy changes nothing except your own understanding.
"""

import jax, jax.numpy as jnp
import numpy as np

NUM_USERS = 1000000
NUM_ITEMS = 1000000
EMBED_K = 64
BATCH = 16384


def _xavier_uniform(key, shape):
    fan_in, fan_out = shape[0], shape[1]
    limit = float(np.sqrt(6.0 / (fan_in + fan_out)))
    return jax.random.uniform(key, shape, minval=-limit, maxval=limit, dtype=jnp.float32)


def setup_inputs(seed: int = 0) -> dict:
    key = jax.random.key(seed)
    k1, k2, k3, k4 = jax.random.split(key, 4)
    users = jax.random.randint(k1, (BATCH,), 0, NUM_USERS, dtype=jnp.int64 if jax.config.jax_enable_x64 else jnp.int32)
    items = jax.random.randint(k2, (BATCH,), 0, NUM_ITEMS, dtype=jnp.int64 if jax.config.jax_enable_x64 else jnp.int32)
    Gu = _xavier_uniform(k3, (NUM_USERS, EMBED_K))
    Gi = _xavier_uniform(k4, (NUM_ITEMS, EMBED_K))
    return {"users": users, "items": items, "Gu": Gu, "Gi": Gi}


def reference(users, items, Gu, Gi):
    # forward(inputs=(users, items)):
    #   gamma_u = Gu.weight[users].squeeze()
    #   gamma_i = Gi.weight[items].squeeze()
    #   xui = sum(gamma_u * gamma_i, dim=1)
    gamma_u = jnp.squeeze(jnp.take(Gu, users, axis=0))
    gamma_i = jnp.squeeze(jnp.take(Gi, items, axis=0))
    xui = jnp.sum(gamma_u * gamma_i, axis=1)
    return (xui, gamma_u, gamma_i)

if __name__ == "__main__":
    import jax
    _d = setup_inputs()
    print(jax.jit(kernel)(*tuple(_d.values())))

</pallas_src>

<mosaic_0001>
#map = affine_map<(d0, d1) -> (0)>
#map1 = affine_map<(d0, d1) -> (0, 0)>
module attributes {stable_mosaic.version = 14 : i64} {
  func.func @_sc_body(%arg0: i32, %arg1: i32, %arg2: memref<16384xi32, #tpu.memory_space<hbm>>, %arg3: memref<16384xi32, #tpu.memory_space<hbm>>, %arg4: memref<64x1000000xf32, #tpu.memory_space<hbm>>, %arg5: memref<64x1000000xf32, #tpu.memory_space<hbm>>, %arg6: memref<16384xf32, #tpu.memory_space<hbm>>, %arg7: memref<64x16384xf32, #tpu.memory_space<hbm>>, %arg8: memref<64x16384xf32, #tpu.memory_space<hbm>>, %arg9: memref<512xi32, #tpu.memory_space<vmem>>, %arg10: memref<512xi32, #tpu.memory_space<vmem>>, %arg11: memref<64x512xf32, #tpu.memory_space<vmem>>, %arg12: memref<64x512xf32, #tpu.memory_space<vmem>>, %arg13: memref<512xf32, #tpu.memory_space<vmem>>, %arg14: memref<!tpu.dma_semaphore, #tpu.memory_space<semaphore_mem>>, %arg15: memref<!tpu.dma_semaphore, #tpu.memory_space<semaphore_mem>>, %arg16: memref<!tpu.dma_semaphore, #tpu.memory_space<semaphore_mem>>, %arg17: memref<!tpu.dma_semaphore, #tpu.memory_space<semaphore_mem>>) attributes {dimension_semantics = [#tpu.dimension_semantics<core_parallel>, #tpu.dimension_semantics<subcore_parallel>], iteration_bounds = array<i64: 2, 16>, scalar_prefetch = 0 : i64, scratch_operands = 9 : i64, tpu.core_type = #tpu.core_type<sc_vector_subcore>, window_params = [{transform_indices = #map}, {transform_indices = #map}, {transform_indices = #map1}, {transform_indices = #map1}, {transform_indices = #map}, {transform_indices = #map1}, {transform_indices = #map1}]} {
    %mul3A = arith.constant 2 : i32
    %mul3A_0 = arith.muli %arg1, %mul3A : i32
    %add3A = arith.addi %mul3A_0, %arg0 : i32
    %mul3A_1 = arith.constant 512 : i32
    %mul3A_2 = arith.muli %add3A, %mul3A_1 : i32
    "tpu.region"() ({
      %run_scoped3A = tpu.sem_alloc : memref<!tpu.dma_semaphore, #tpu.memory_space<semaphore_mem>>
      %dma_start3A_34 = tpu.memref_slice %arg2[%mul3A_2] : memref<16384xi32, #tpu.memory_space<hbm>> -> memref<512xi32, #tpu.memory_space<hbm>>
      %dma_start3A_35 = tpu.memref_slice %arg2[%mul3A_2] : memref<16384xi32, #tpu.memory_space<hbm>> -> memref<512xi32, #tpu.memory_space<hbm>>
      tpu.enqueue_dma source(%dma_start3A_35 : memref<512xi32, #tpu.memory_space<hbm>>) target(%arg9 : memref<512xi32, #tpu.memory_space<vmem>>) target_semaphore(%run_scoped3A : memref<!tpu.dma_semaphore, #tpu.memory_space<semaphore_mem>>)
      %dma_wait3A_36 = tpu.memref_slice %arg2[%mul3A_2] : memref<16384xi32, #tpu.memory_space<hbm>> -> memref<512xi32, #tpu.memory_space<hbm>>
      %dma_wait3A_37 = tpu.memref_slice %arg2[%mul3A_2] : memref<16384xi32, #tpu.memory_space<hbm>> -> memref<512xi32, #tpu.memory_space<hbm>>
      tpu.wait_dma2 semaphore(%run_scoped3A : memref<!tpu.dma_semaphore, #tpu.memory_space<semaphore_mem>>) src(%dma_wait3A_37 : memref<512xi32, #tpu.memory_space<hbm>>) dst(%arg9 : memref<512xi32, #tpu.memory_space<vmem>>)
      tpu.yield
    }) : () -> ()
    "tpu.region"() ({
      %run_scoped3A = tpu.sem_alloc : memref<!tpu.dma_semaphore, #tpu.memory_space<semaphore_mem>>
      %dma_start3A_34 = tpu.memref_slice %arg3[%mul3A_2] : memref<16384xi32, #tpu.memory_space<hbm>> -> memref<512xi32, #tpu.memory_space<hbm>>
      %dma_start3A_35 = tpu.memref_slice %arg3[%mul3A_2] : memref<16384xi32, #tpu.memory_space<hbm>> -> memref<512xi32, #tpu.memory_space<hbm>>
      tpu.enqueue_dma source(%dma_start3A_35 : memref<512xi32, #tpu.memory_space<hbm>>) target(%arg10 : memref<512xi32, #tpu.memory_space<vmem>>) target_semaphore(%run_scoped3A : memref<!tpu.dma_semaphore, #tpu.memory_space<semaphore_mem>>)
      %dma_wait3A_36 = tpu.memref_slice %arg3[%mul3A_2] : memref<16384xi32, #tpu.memory_space<hbm>> -> memref<512xi32, #tpu.memory_space<hbm>>
      %dma_wait3A_37 = tpu.memref_slice %arg3[%mul3A_2] : memref<16384xi32, #tpu.memory_space<hbm>> -> memref<512xi32, #tpu.memory_space<hbm>>
      tpu.wait_dma2 semaphore(%run_scoped3A : memref<!tpu.dma_semaphore, #tpu.memory_space<semaphore_mem>>) src(%dma_wait3A_37 : memref<512xi32, #tpu.memory_space<hbm>>) dst(%arg10 : memref<512xi32, #tpu.memory_space<vmem>>)
      tpu.yield
    }) : () -> ()
    %scan3A = arith.constant 0 : i32
    %scan3A_3 = arith.constant 0 : i32
    %scan3A_4 = arith.constant 64 : i32
    %scan3A_5 = arith.addi %scan3A_3, %scan3A_4 : i32
    %scan3A_6 = arith.constant 1 : i32
    scf.for %scan3A_34 = %scan3A_3 to %scan3A_5 step %scan3A_6  : i32 {
      %dma_start3A_35 = arith.constant 0 : i32
      %dma_start3A_36 = tpu.memref_slice %arg11[%scan3A_34, %dma_start3A_35] : memref<64x512xf32, #tpu.memory_space<vmem>> -> memref<1x512xf32, #tpu.memory_space<vmem>>
      %dma_start3A_37 = tpu.memref_squeeze %dma_start3A_36 : memref<1x512xf32, #tpu.memory_space<vmem>> -> memref<512xf32, #tpu.memory_space<vmem>>
      %dma_start3A_38 = arith.constant 0 : i32
      %dma_start3A_39 = tpu.memref_slice %arg4[%scan3A_34, %dma_start3A_38] : memref<64x1000000xf32, #tpu.memory_space<hbm>> -> memref<1x1000000xf32, #tpu.memory_space<hbm>>
      %dma_start3A_40 = tpu.memref_squeeze %dma_start3A_39 : memref<1x1000000xf32, #tpu.memory_space<hbm>> -> memref<1000000xf32, #tpu.memory_space<hbm>>
      %dma_start3A_41 = arith.constant 0 : i32
      %dma_start3A_42 = tpu.memref_slice %dma_start3A_40[%dma_start3A_41] : memref<1000000xf32, #tpu.memory_space<hbm>> -> memref<1000000xf32, #tpu.memory_space<hbm>>
      tpu.enqueue_indirect_dma source(%dma_start3A_42 : memref<1000000xf32, #tpu.memory_space<hbm>>) target(%dma_start3A_37 : memref<512xf32, #tpu.memory_space<vmem>>) offsets(%arg9 : memref<512xi32, #tpu.memory_space<vmem>>) semaphore(%arg14 : memref<!tpu.dma_semaphore, #tpu.memory_space<semaphore_mem>>)
      %dma_start3A_43 = arith.constant 0 : i32
      %dma_start3A_44 = tpu.memref_slice %arg12[%scan3A_34, %dma_start3A_43] : memref<64x512xf32, #tpu.memory_space<vmem>> -> memref<1x512xf32, #tpu.memory_space<vmem>>
      %dma_start3A_45 = tpu.memref_squeeze %dma_start3A_44 : memref<1x512xf32, #tpu.memory_space<vmem>> -> memref<512xf32, #tpu.memory_space<vmem>>
      %dma_start3A_46 = arith.constant 0 : i32
      %dma_start3A_47 = tpu.memref_slice %arg5[%scan3A_34, %dma_start3A_46] : memref<64x1000000xf32, #tpu.memory_space<hbm>> -> memref<1x1000000xf32, #tpu.memory_space<hbm>>
      %dma_start3A_48 = tpu.memref_squeeze %dma_start3A_47 : memref<1x1000000xf32, #tpu.memory_space<hbm>> -> memref<1000000xf32, #tpu.memory_space<hbm>>
      %dma_start3A_49 = arith.constant 0 : i32
      %dma_start3A_50 = tpu.memref_slice %dma_start3A_48[%dma_start3A_49] : memref<1000000xf32, #tpu.memory_space<hbm>> -> memref<1000000xf32, #tpu.memory_space<hbm>>
      tpu.enqueue_indirect_dma source(%dma_start3A_50 : memref<1000000xf32, #tpu.memory_space<hbm>>) target(%dma_start3A_45 : memref<512xf32, #tpu.memory_space<vmem>>) offsets(%arg10 : memref<512xi32, #tpu.memory_space<vmem>>) semaphore(%arg15 : memref<!tpu.dma_semaphore, #tpu.memory_space<semaphore_mem>>)
      %dma_wait3A_51 = arith.constant 0 : i32
      %dma_wait3A_52 = tpu.memref_slice %arg11[%scan3A_34, %dma_wait3A_51] : memref<64x512xf32, #tpu.memory_space<vmem>> -> memref<1x512xf32, #tpu.memory_space<vmem>>
      %dma_wait3A_53 = tpu.memref_squeeze %dma_wait3A_52 : memref<1x512xf32, #tpu.memory_space<vmem>> -> memref<512xf32, #tpu.memory_space<vmem>>
      %dma_wait3A_54 = arith.constant 0 : i32
      %dma_wait3A_55 = tpu.memref_slice %arg4[%scan3A_34, %dma_wait3A_54] : memref<64x1000000xf32, #tpu.memory_space<hbm>> -> memref<1x1000000xf32, #tpu.memory_space<hbm>>
      %dma_wait3A_56 = tpu.memref_squeeze %dma_wait3A_55 : memref<1x1000000xf32, #tpu.memory_space<hbm>> -> memref<1000000xf32, #tpu.memory_space<hbm>>
      %dma_wait3A_57 = arith.constant 0 : i32
      %dma_wait3A_58 = tpu.memref_slice %dma_wait3A_56[%dma_wait3A_57] : memref<1000000xf32, #tpu.memory_space<hbm>> -> memref<1000000xf32, #tpu.memory_space<hbm>>
      tpu.wait_indirect_dma semaphore(%arg14 : memref<!tpu.dma_semaphore, #tpu.memory_space<semaphore_mem>>) src(%dma_wait3A_58 : memref<1000000xf32, #tpu.memory_space<hbm>>) dst(%dma_wait3A_53 : memref<512xf32, #tpu.memory_space<vmem>>)
      %dma_wait3A_59 = arith.constant 0 : i32
      %dma_wait3A_60 = tpu.memref_slice %arg12[%scan3A_34, %dma_wait3A_59] : memref<64x512xf32, #tpu.memory_space<vmem>> -> memref<1x512xf32, #tpu.memory_space<vmem>>
      %dma_wait3A_61 = tpu.memref_squeeze %dma_wait3A_60 : memref<1x512xf32, #tpu.memory_space<vmem>> -> memref<512xf32, #tpu.memory_space<vmem>>
      %dma_wait3A_62 = arith.constant 0 : i32
      %dma_wait3A_63 = tpu.memref_slice %arg5[%scan3A_34, %dma_wait3A_62] : memref<64x1000000xf32, #tpu.memory_space<hbm>> -> memref<1x1000000xf32, #tpu.memory_space<hbm>>
      %dma_wait3A_64 = tpu.memref_squeeze %dma_wait3A_63 : memref<1x1000000xf32, #tpu.memory_space<hbm>> -> memref<1000000xf32, #tpu.memory_space<hbm>>
      %dma_wait3A_65 = arith.constant 0 : i32
      %dma_wait3A_66 = tpu.memref_slice %dma_wait3A_64[%dma_wait3A_65] : memref<1000000xf32, #tpu.memory_space<hbm>> -> memref<1000000xf32, #tpu.memory_space<hbm>>
      tpu.wait_indirect_dma semaphore(%arg15 : memref<!tpu.dma_semaphore, #tpu.memory_space<semaphore_mem>>) src(%dma_wait3A_66 : memref<1000000xf32, #tpu.memory_space<hbm>>) dst(%dma_wait3A_61 : memref<512xf32, #tpu.memory_space<vmem>>)
    }
    %scan3A_7 = arith.constant 64 : i32
    %dma_start3A = arith.constant 0 : i32
    %dma_start3A_8 = tpu.memref_slice %arg7[%dma_start3A, %mul3A_2] : memref<64x16384xf32, #tpu.memory_space<hbm>> -> memref<64x512xf32, #tpu.memory_space<hbm>>
    %dma_start3A_9 = arith.constant 0 : i32
    %dma_start3A_10 = tpu.memref_slice %arg7[%dma_start3A_9, %mul3A_2] : memref<64x16384xf32, #tpu.memory_space<hbm>> -> memref<64x512xf32, #tpu.memory_space<hbm>>
    tpu.enqueue_dma source(%arg11 : memref<64x512xf32, #tpu.memory_space<vmem>>) target(%dma_start3A_10 : memref<64x512xf32, #tpu.memory_space<hbm>>) target_semaphore(%arg16 : memref<!tpu.dma_semaphore, #tpu.memory_space<semaphore_mem>>)
    %dma_start3A_11 = arith.constant 0 : i32
    %dma_start3A_12 = tpu.memref_slice %arg8[%dma_start3A_11, %mul3A_2] : memref<64x16384xf32, #tpu.memory_space<hbm>> -> memref<64x512xf32, #tpu.memory_space<hbm>>
    %dma_start3A_13 = arith.constant 0 : i32
    %dma_start3A_14 = tpu.memref_slice %arg8[%dma_start3A_13, %mul3A_2] : memref<64x16384xf32, #tpu.memory_space<hbm>> -> memref<64x512xf32, #tpu.memory_space<hbm>>
    tpu.enqueue_dma source(%arg12 : memref<64x512xf32, #tpu.memory_space<vmem>>) target(%dma_start3A_14 : memref<64x512xf32, #tpu.memory_space<hbm>>) target_semaphore(%arg17 : memref<!tpu.dma_semaphore, #tpu.memory_space<semaphore_mem>>)
    %scan3A_15 = arith.constant 0 : i32
    %scan3A_16 = arith.constant 0 : i32
    %scan3A_17 = arith.constant 32 : i32
    %scan3A_18 = arith.addi %scan3A_16, %scan3A_17 : i32
    %scan3A_19 = arith.constant 1 : i32
    scf.for %scan3A_34 = %scan3A_16 to %scan3A_18 step %scan3A_19  : i32 {
      %broadcast_in_dim3A = arith.constant 0.000000e+00 : f32
      %broadcast_in_dim3A_35 = vector.broadcast %broadcast_in_dim3A : f32 to vector<16xf32>
      %mul3A_36 = arith.constant 16 : i32
      %mul3A_37 = arith.muli %scan3A_34, %mul3A_36 : i32
      %swap3A = arith.index_cast %mul3A_37 : i32 to index
      %swap3A_38 = tpu.vector_load %arg13[%swap3A] {strides = array<i32>} : memref<512xf32, #tpu.memory_space<vmem>>, vector<16xf32>,
      tpu.vector_store %arg13[%swap3A], %broadcast_in_dim3A_35 {strides = array<i32>} : memref<512xf32, #tpu.memory_space<vmem>>, vector<16xf32>,
    }
    %scan3A_20 = arith.constant 32 : i32
    %scan3A_21 = arith.constant 0 : i32
    %scan3A_22 = arith.constant 0 : i32
    %scan3A_23 = arith.constant 64 : i32
    %scan3A_24 = arith.addi %scan3A_22, %scan3A_23 : i32
    %scan3A_25 = arith.constant 1 : i32
    scf.for %scan3A_34 = %scan3A_22 to %scan3A_24 step %scan3A_25  : i32 {
      %scan3A_35 = arith.constant 0 : i32
      %scan3A_36 = arith.constant 0 : i32
      %scan3A_37 = arith.constant 32 : i32
      %scan3A_38 = arith.addi %scan3A_36, %scan3A_37 : i32
      %scan3A_39 = arith.constant 1 : i32
      scf.for %scan3A_41 = %scan3A_36 to %scan3A_38 step %scan3A_39  : i32 {
        %mul3A_42 = arith.constant 16 : i32
        %mul3A_43 = arith.muli %scan3A_41, %mul3A_42 : i32
        %get3A = arith.index_cast %scan3A_34 : i32 to index
        %get3A_44 = arith.index_cast %mul3A_43 : i32 to index
        %get3A_45 = tpu.vector_load %arg11[%get3A, %get3A_44] {strides = array<i32>} : memref<64x512xf32, #tpu.memory_space<vmem>>, vector<16xf32>,
        %mul3A_46 = arith.constant 16 : i32
        %mul3A_47 = arith.muli %scan3A_41, %mul3A_46 : i32
        %get3A_48 = arith.index_cast %scan3A_34 : i32 to index
        %get3A_49 = arith.index_cast %mul3A_47 : i32 to index
        %get3A_50 = tpu.vector_load %arg12[%get3A_48, %get3A_49] {strides = array<i32>} : memref<64x512xf32, #tpu.memory_space<vmem>>, vector<16xf32>,
        %mul3A_51 = arith.constant 16 : i32
        %mul3A_52 = arith.muli %scan3A_41, %mul3A_51 : i32
        %get3A_53 = arith.index_cast %mul3A_52 : i32 to index
        %get3A_54 = tpu.vector_load %arg13[%get3A_53] {strides = array<i32>} : memref<512xf32, #tpu.memory_space<vmem>>, vector<16xf32>,
        %mul3A_55 = arith.mulf %get3A_45, %get3A_50 : vector<16xf32>
        %add3A_56 = arith.addf %get3A_54, %mul3A_55 : vector<16xf32>
        %mul3A_57 = arith.constant 16 : i32
        %mul3A_58 = arith.muli %scan3A_41, %mul3A_57 : i32
        %swap3A = arith.index_cast %mul3A_58 : i32 to index
        %swap3A_59 = tpu.vector_load %arg13[%swap3A] {strides = array<i32>} : memref<512xf32, #tpu.memory_space<vmem>>, vector<16xf32>,
        tpu.vector_store %arg13[%swap3A], %add3A_56 {strides = array<i32>} : memref<512xf32, #tpu.memory_space<vmem>>, vector<16xf32>,
      }
      %scan3A_40 = arith.constant 32 : i32
    }
    %scan3A_26 = arith.constant 64 : i32
    "tpu.region"() ({
      %run_scoped3A = tpu.sem_alloc : memref<!tpu.dma_semaphore, #tpu.memory_space<semaphore_mem>>
      %dma_start3A_34 = tpu.memref_slice %arg6[%mul3A_2] : memref<16384xf32, #tpu.memory_space<hbm>> -> memref<512xf32, #tpu.memory_space<hbm>>
      %dma_start3A_35 = tpu.memref_slice %arg6[%mul3A_2] : memref<16384xf32, #tpu.memory_space<hbm>> -> memref<512xf32, #tpu.memory_space<hbm>>
      tpu.enqueue_dma source(%arg13 : memref<512xf32, #tpu.memory_space<vmem>>) target(%dma_start3A_35 : memref<512xf32, #tpu.memory_space<hbm>>) target_semaphore(%run_scoped3A : memref<!tpu.dma_semaphore, #tpu.memory_space<semaphore_mem>>)
      %dma_wait3A_36 = tpu.memref_slice %arg6[%mul3A_2] : memref<16384xf32, #tpu.memory_space<hbm>> -> memref<512xf32, #tpu.memory_space<hbm>>
      %dma_wait3A_37 = tpu.memref_slice %arg6[%mul3A_2] : memref<16384xf32, #tpu.memory_space<hbm>> -> memref<512xf32, #tpu.memory_space<hbm>>
      tpu.wait_dma2 semaphore(%run_scoped3A : memref<!tpu.dma_semaphore, #tpu.memory_space<semaphore_mem>>) src(%arg13 : memref<512xf32, #tpu.memory_space<vmem>>) dst(%dma_wait3A_37 : memref<512xf32, #tpu.memory_space<hbm>>)
      tpu.yield
    }) : () -> ()
    %dma_wait3A = arith.constant 0 : i32
    %dma_wait3A_27 = tpu.memref_slice %arg7[%dma_wait3A, %mul3A_2] : memref<64x16384xf32, #tpu.memory_space<hbm>> -> memref<64x512xf32, #tpu.memory_space<hbm>>
    %dma_wait3A_28 = arith.constant 0 : i32
    %dma_wait3A_29 = tpu.memref_slice %arg7[%dma_wait3A_28, %mul3A_2] : memref<64x16384xf32, #tpu.memory_space<hbm>> -> memref<64x512xf32, #tpu.memory_space<hbm>>
    tpu.wait_dma2 semaphore(%arg16 : memref<!tpu.dma_semaphore, #tpu.memory_space<semaphore_mem>>) src(%arg11 : memref<64x512xf32, #tpu.memory_space<vmem>>) dst(%dma_wait3A_29 : memref<64x512xf32, #tpu.memory_space<hbm>>)
    %dma_wait3A_30 = arith.constant 0 : i32
    %dma_wait3A_31 = tpu.memref_slice %arg8[%dma_wait3A_30, %mul3A_2] : memref<64x16384xf32, #tpu.memory_space<hbm>> -> memref<64x512xf32, #tpu.memory_space<hbm>>
    %dma_wait3A_32 = arith.constant 0 : i32
    %dma_wait3A_33 = tpu.memref_slice %arg8[%dma_wait3A_32, %mul3A_2] : memref<64x16384xf32, #tpu.memory_space<hbm>> -> memref<64x512xf32, #tpu.memory_space<hbm>>
    tpu.wait_dma2 semaphore(%arg17 : memref<!tpu.dma_semaphore, #tpu.memory_space<semaphore_mem>>) src(%arg12 : memref<64x512xf32, #tpu.memory_space<vmem>>) dst(%dma_wait3A_33 : memref<64x512xf32, #tpu.memory_space<hbm>>)
    return
  }
}

</mosaic_0001>

<sc_bundles>
// kernel: _impl.3.cloned.1.call-start
scs
__scs_entry_jumppad:
0x0: {  	(pc) =	sbr.rel $0x88, $3  }
0x1: {  	(tag) =	ssettag $0x0;
	lr =	simm.s32 $0x1  }
0x2: {  	[smem:$0x3F9D] =	sst lr;
	_ =	strace $0xD0000000  }
0x3: {  	_ = 	snop  }
0x4: {  	_ = 	snop  }
0x5: {  	_ = 	snop  }
0x6: {  	_ = 	snop  }
0x7: {  	_ = 	snop  }
__scs_overlays_trampoline_lowered:
0x8: {  	[smem:$0x3FAC] =	sst s0  }
0x9: {  	[smem:$0x3FAD] =	sst s1  }
0xa: {  	[smem:$0x3FAE] =	sst s2  }
0xb: {  	[smem:$0x3FAF] =	sst s3  }
0xc: {  	[smem:$0x3FB0] =	sst s4  }
0xd: {  	[smem:$0x3FB1] =	sst s5  }
0xe: {  	[smem:$0x3FB2] =	sst s6  }
0xf: {  	[smem:$0x3FB3] =	sst s7  }
0x10: {  	[smem:$0x3FB4] =	sst s8  }
0x11: {  	[smem:$0x3FB5] =	sst s9;
	s0 =	simm.s32 @!p0 $0x0  }
0x12: {  	s1 =	sld [smem:$0x3F9B];
	s0 =	simm.s32 @p0 $0x1  }
0x13: {  	[smem:$0x3FB6] =	sst s0;
	s0 =	simm.s32 @!p1 $0x0  }
0x14: {  	s2 =	sld [smem:$0x3F9A];
	s0 =	simm.s32 @p1 $0x1  }
0x15: {  	[smem:$0x3FB7] =	sst s0;
	s0 =	simm.s32 @!p2 $0x0  }
0x16: {  	s3 =	sld [smem:$0x3FDB];
	s0 =	simm.s32 @p2 $0x1  }
0x17: {  	s4 =	simm.s32 $0x1BF5;
	[smem:$0x3FB9] =	sst s0  }
0x18: {  	s0 =	sld [smem:$0x3F9C];
	_ =	swait.ge [sflag:s4], $0x0  }
0x19: {  	s7 =	sld [smem:$0x3F9D]  }
0x1a: {  	s8 =	sadd.s32 $0xFFFFE003, lr  }
0x1b: {  	s9 =	sadd.s32 $0xFFFFFEF7, lr;
	s5 =	simm.s32 $0xFFFFFFFF;
	p2 =	slt.u32 s8, $0xFFFFF086  }
0x1c: {  	p1 =	slt.u32 s9, $0xF7A;
	s5 =	simm.s32 @!p2 $0x0  }
0x1d: {  	s5 =	simm.s32 @p1 $0x1;
	p0 =	seq.s32 s7, s2  }
0x1e: {  	s7 =	smul.u32 @!p0 $0xF7A, s2;
	p2 =	seq.s32 @!p0 s5, $0x0  }
0x1f: {  	s9 =	smul.u32 $0xF7A, s1;
	s8 =	simm.s32 @!p0 $0x1BF5;
	p2 =	por !p2, p0  }
0x20: {  	[sflag:s8] =	ssyncset.s32 @!p0 $0xFFFFF086;
	s6 =	sadd.s32 @!p0 s3, s7;
	s7 =	simm.s32 @!p0 $0x108  }
0x21: {  	s3 =	sadd.s32 s3, s9;
	s6 =	sadd.s32 @!p0 $0x88, s6;
	s7 =	simm.s32 @p2 $0x1082  }
0x22: {  	[simem:s7], [sflag:s8] =	dma.local @!p0 [hbm:s6], $0xF7A  }
0x23: {  	s9 =	sor.u32 $0xD0000000, s2;
	s6 =	simm.s32 $0x108;
	_ =	swait.ge @!p0 [sflag:s8], $0x0  }
0x24: {  	s3 =	sadd.s32 $0x88, s3;
	s6 =	simm.s32 @!p1 $0x1082;
	[sflag:s4] =	ssyncset.s32 $0xFFFFF086  }
0x25: {  	[simem:s6], [sflag:s4] =	dma.local [hbm:s3], $0xF7A  }
0x26: {  	[smem:$0x3F9D] =	sst s1;
	(tag) =	ssettag s2;
	_ =	strace s9  }
0x27: {  	s1 =	sld [smem:$0x3FAD]  }
0x28: {  	s2 =	sld [smem:$0x3FAE]  }
0x29: {  	s4 =	sld [smem:$0x3FB0]  }
0x2a: {  	p0 =	seq.s32 s5, $0x0;
	s5 =	sld [smem:$0x3FB1]  }
0x2b: {  	s6 =	sld [smem:$0x3FB2]  }
0x2c: {  	s7 =	sld [smem:$0x3FB3]  }
0x2d: {  	s3 =	simm.s32 $0x108;
	s8 =	sld [smem:$0x3FB4]  }
0x2e: {  	s3 =	simm.s32 @!p0 $0x1082;
	s9 =	sld [smem:$0x3FB5]  }
0x2f: {  	lr =	sadd.s32 s0, s3;
	s0 =	sld [smem:$0x3FAC]  }
0x30: {  	s3 =	sld [smem:$0x3FAF]  }
0x31: {  	[smem:$0x3FB8] =	sst s10  }
0x32: {  	s10 =	sld [smem:$0x3FB6];
	_ =	sdelay $0x3  }
0x33: {  	p0 =	seq.s32 s10, $0x1;
	s10 =	sld [smem:$0x3FB8];
	_ =	sdelay $0x3  }
0x34: {  	[smem:$0x3FB8] =	sst s10  }
0x35: {  	s10 =	sld [smem:$0x3FB7];
	_ =	sdelay $0x3  }
0x36: {  	p1 =	seq.s32 s10, $0x1;
	s10 =	sld [smem:$0x3FB8];
	_ =	sdelay $0x3  }
0x37: {  	[smem:$0x3FB8] =	sst s10  }
0x38: {  	s10 =	sld [smem:$0x3FB9]  }
0x39: {  	_ = 	snop;
	(pc) =	sbr.ind lr, $3  }
0x3a: {  	_ = 	snop  }
0x3b: {  	_ = 	snop  }
0x3c: {  	p2 =	seq.s32 s10, $0x1;
	s10 =	sld [smem:$0x3FB8]  }
0x3d: {  	_ =	shalt  }
0x3e: {  	_ =	shalt  }
0x3f: {  	_ =	shalt  }
0x40: {  	_ =	shalt  }
0x41: {  	_ =	shalt  }
0x42: {  	_ =	shalt  }
0x43: {  	_ =	shalt  }
0x44: {  	_ =	shalt  }
0x45: {  	_ =	shalt  }
0x46: {  	_ =	shalt  }
0x47: {  	_ =	shalt  }
0x48: {  	_ =	shalt  }
0x49: {  	_ =	shalt  }
0x4a: {  	_ =	shalt  }
0x4b: {  	_ =	shalt  }
0x4c: {  	_ =	shalt  }
0x4d: {  	_ =	shalt  }
0x4e: {  	_ =	shalt  }
0x4f: {  	_ =	shalt  }
0x50: {  	_ =	shalt  }
0x51: {  	_ =	shalt  }
0x52: {  	_ =	shalt  }
0x53: {  	_ =	shalt  }
0x54: {  	_ =	shalt  }
0x55: {  	_ =	shalt  }
0x56: {  	_ =	shalt  }
0x57: {  	_ =	shalt  }
0x58: {  	_ =	shalt  }
0x59: {  	_ =	shalt  }
0x5a: {  	_ =	shalt  }
0x5b: {  	_ =	shalt  }
0x5c: {  	_ =	shalt  }
0x5d: {  	_ =	shalt  }
0x5e: {  	_ =	shalt  }
0x5f: {  	_ =	shalt  }
0x60: {  	_ =	shalt  }
0x61: {  	_ =	shalt  }
0x62: {  	_ =	shalt  }
0x63: {  	_ =	shalt  }
0x64: {  	_ =	shalt  }
0x65: {  	_ =	shalt  }
0x66: {  	_ =	shalt  }
0x67: {  	_ =	shalt  }
0x68: {  	_ =	shalt  }
0x69: {  	_ =	shalt  }
0x6a: {  	_ =	shalt  }
0x6b: {  	_ =	shalt  }
0x6c: {  	_ =	shalt  }
0x6d: {  	_ =	shalt  }
0x6e: {  	_ =	shalt  }
0x6f: {  	_ =	shalt  }
0x70: {  	_ =	shalt  }
0x71: {  	_ =	shalt  }
0x72: {  	_ =	shalt  }
0x73: {  	_ =	shalt  }
0x74: {  	_ =	shalt  }
0x75: {  	_ =	shalt  }
0x76: {  	_ =	shalt  }
0x77: {  	_ =	shalt  }
0x78: {  	_ =	shalt  }
0x79: {  	_ =	shalt  }
0x7a: {  	_ =	shalt  }
0x7b: {  	_ =	shalt  }
0x7c: {  	_ =	shalt  }
0x7d: {  	_ =	shalt  }
0x7e: {  	_ =	shalt  }
0x7f: {  	_ =	shalt  }
0x80: {  	_ =	shalt  }
0x81: {  	_ =	shalt  }
0x82: {  	_ =	shalt  }
0x83: {  	_ =	shalt  }
0x84: {  	_ =	shalt  }
0x85: {  	_ =	shalt  }
0x86: {  	_ =	shalt  }
0x87: {  	_ =	shalt  }
.Lfunc_end0:
.L_simem_size_0:
called_computation_lowered:
.L_overlay_start_0:
0x88: {  	s2 =	sld [smem:$0x3FD9]  }
0x89: {  	s3 =	sld [smem:$0x3FFE];
	_ =	sdelay $0x1  }
0x8a: {  	s1 =	srdreg.scid  }
0x8b: {  	s0 =	sand.u32 $0x1, s1  }
0x8c: {  	s14 =	sshll.u32 s0, $0xA;
	s2 =	sadd.s32 s3, s2  }
0x8d: {  	s2 =	sadd.s32 s2, s14  }
0x8e: {  	[smem:$0x3FC4] =	sst s2  }
0x8f: {  	_ = 	snop  }
0x90: {  	s2 =	sld [smem:$0x3FD0];
	_ =	sdelay $0x1  }
0x91: {  	s15 =	sld [smem:$0x3FC9]  }
0x92: {  	s5 =	simm.s32 $0xA;
	s6 =	simm.s32 $0x10;
	s4 =	sld [smem:$0x3FC8]  }
0x93: {  	[smem:s6], [sflag:s5] =	dma.local [hbm:s2], $0x1  }
0x94: {  	_ =	swait.eq [sflag:s5], $0x1  }
0x95: {  	[sflag:s5] =	ssyncset.done $0x0  }
0x96: {  	s16 =	sld [smem:$0x10];
	[sflag:s5] =	ssyncadd.s32 $0xFFFFFFFF  }
0x97: {  	s17 =	sld [smem:$0x11];
	(tm) =	ssettm $0x1  }
0x98: {  	s18 =	sld [smem:$0x3FFB];
	_ =	sdelay $0x3  }
0x99: {  	_ =	strace s18  }
0x9a: {  	s6 =	sld [smem:$0x3FFC];
	_ =	sdelay $0x3  }
0x9b: {  	_ =	strace s6  }
0x9c: {  	s6 =	sld [smem:$0x3FFD];
	_ =	sdelay $0x3  }
0x9d: {  	_ =	strace s6  }
0x9e: {  	_ =	strace $0x8FFFFFFF  }
0x9f: {  	s19 =	sld [smem:$0x3FDB];
	_ =	sdelay $0x1  }
0xa0: {  	s7 =	simm.s32 $_scs_section_size  }
0xa1: {  	s8 =	simm.s32 $_size__tile_overlayer_lowered;
	s9 =	simm.s32 $_tile_overlayer_lowered  }
0xa2: {  	s22 =	simm.s32 $0x1BFF;
	s21 =	sshll.u32 s9, $0x1;
	s6 =	sadd.s32 s7, s19  }
0xa3: {  	s10 =	simm.s32 $0x0;
	s20 =	sshll.u32 s8, $0x1;
	s8 =	sadd.s32 s21, s6  }
0xa4: {  	[timem:s10], [sflag:s22] =	dma.local [hbm:s8], s20  }
0xa5: {  	_ =	swait.ge [sflag:s22], s20  }
0xa6: {  	s7 =	ssub.s32 $0x0, s20;
	[sflag:s22] =	ssyncset.done $0x0  }
0xa7: {  	[sflag:s22] =	ssyncadd.s32 s7;
	_ =	sdelay $0x1  }
0xa8: {  	s23 =	simm.s32 $0x1B8B  }
0xa9: {  	_ =	swait.ge [sflag:s23], $0x1  }
0xaa: {  	[sflag:s23] =	ssyncset.done $0x0  }
0xab: {  	s25 =	simm.s32 $0x1B8E;
	s24 =	sld [smem:$0x3FFE];
	[sflag:s23] =	ssyncadd.s32 $0xFFFFFFFF  }
0xac: {  	s26 =	simm.s32 $execute0_lowered;
	[smem:$0x3FD2] =	sst s25  }
0xad: {  	s8 =	sshll.u32 s26, $0x1;
	_ =	strace $0x80000046;
	[dreg:$0x1] =	wrdreg $0xFFFFFFFF  }
0xae: {  	s28 =	simm.s32 $_size_execute0_lowered;
	s6 =	sadd.s32 s6, s8;
	[dreg:$0x0] =	wrdreg $0x0  }
0xaf: {  	s8 =	sshll.u32 s28, $0x1;
	[dreg:$0x2] =	wrdreg s6  }
0xb0: {  	[dreg:$0x3] =	wrdreg s8  }
0xb1: {  	[dreg:$0x4] =	wrdreg $0xC0  }
0xb2: {  	_ =	task [dreg:s10], $0x5FFFF  }
0xb3: {  	[dreg:$0x1] =	wrdreg $0xFFFFFFFF  }
0xb4: {  	[dreg:$0x0] =	wrdreg $0x60  }
0xb5: {  	[dreg:$0x2] =	wrdreg s15  }
0xb6: {  	[dreg:$0x3] =	wrdreg s4  }
0xb7: {  	[dreg:$0x4] =	wrdreg s24  }
0xb8: {  	[dreg:$0x5] =	wrdreg s16  }
0xb9: {  	[dreg:$0x6] =	wrdreg s17  }
0xba: {  	[dreg:$0x7] =	wrdreg $0x9  }
0xbb: {  	_ =	task.clear_ibuf [dreg:s10], $0x8FFFF;
	_ =	strace $0x90000046  }
0xbc: {  	s29 =	simm.s32 $0x9;
	_ =	strace $0x80000048  }
0xbd: {  	_ =	swait.ge [sflag:s29], $0x1  }
0xbe: {  	[sflag:s29] =	ssyncadd.s32 $0xFFFFFFFF  }
0xbf: {  	_ =	strace $0x90000048  }
0xc0: {  	_ =	sfence  }
0xc1: {  	s30 =	sld [smem:$0x0];
	_ =	sdelay $0x2  }
0xc2: {  	s31 =	sshll.u32 s1, $0xD;
	s1 =	sshrl.u32 s1, $0x2  }
0xc3: {  	s3 =	sand.u32 $0x4000, s31;
	s1 =	sadd.s32 s1, s30  }
0xc4: {  	s0 =	sor.u32 s3, s0;
	s1 =	sshll.u32 s1, $0x11  }
0xc5: {  	s0 =	sor.u32 s1, s0  }
0xc6: {  	s0 =	sadd.s32 $0x8F2B, s0  }
0xc7: {  	[sflag:s0] =	ssyncadd.remote.s32 $0x1  }
0xc8: {  	_ =	sfence.sel $0xFFFF  }
0xc9: {  	[dreg:$0x0] =	wrdreg $0xFFFFFFFF;
	(pc) =	sbr.abs _section_cstart, $3  }
0xca: {  	[dreg:$0x1] =	wrdreg $0xFFFFFFFF  }
0xcb: {  	_ =	task.clear_ibuf [dreg:s10], $0x2FFFF;
	_ =	strace $0x9FFFFFFF  }
0xcc: {  	(tm) =	ssettm $0x7FFFFFFF  }
0xcd: {  	_ =	shalt  }
tec
execute0_lowered:
.L_overlay_start_1:
0x0: {  	(tag) =	ssettag $0x1  }
0x1: {  	s5 =	rddreg [dreg:$0x0]  }
0x2: {  	s6 =	rddreg [dreg:$0x1]  }
0x3: {  	s7 =	rddreg [dreg:$0x2]  }
0x4: {  	s9 =	rddreg [dreg:$0x3]  }
0x5: {  	s8 =	rddreg [dreg:$0x4]  }
0x6: {  	s0 =	rddreg [dreg:$0x5]  }
0x7: {  	s2 =	simm.s32 $0x0;
	s3 =	srdreg.scid;
	s1 =	stileid.u32  }
0x8: {  	s13 =	simm.s32 $0x1;
	s14 =	simm.s32 $0x2;
	s15 =	simm.s32 $0x4000  }
0x9: {  	s16 =	simm.s32 $0x10400;
	s17 =	simm.s32 $0x3;
	s18 =	simm.s32 $0x4  }
0xa: {  	s19 =	simm.s32 $0x0;
	[smem:$0x7FF] =	sst s2;
	s3 =	sand.u32 $0x1, s3  }
0xb: {  	s4 =	sshll.u32 s1, $0x7;
	_ =	strace $0x80000047;
	s10 =	sshll.u32 s3, $0x6  }
0xc: {  	s11 =	ssub.s32 $0x2, s3;
	s3 =	sadd.s32 $0x7A1400, s7;
	s10 =	sor.u32 s10, s4  }
0xd: {  	s12 =	sshrl.u32 s11, $0x1;
	s4 =	sadd.s32 $0x200, s7;
	s7 =	sadd.s32 s10, s7  }
0xe: {  	s11 =	ssub.s32 s11, s12;
	s5 =	sadd.s32 s5, s10;
	s6 =	sadd.s32 s6, s10  }
0xf: {  	s8 =	sadd.s32 s8, s10;
	s9 =	sadd.s32 s9, s10;
	s12 =	simm.s32 $0x200  }
0x10: {  	v0 =	vimm.f32 $0.0e+00;
	s7 =	sadd.s32 $0xF42600, s7;
	s10 =	smax.u32 s11, $0x1;
	s11 =	simm.s32 $0x5  }
.LBB2_1:
0x11: {  	[tilespmem:s2], [sflag:$0x5] =	stream.linear.gather [hbm4b:s5+s2], $0x200, $0x38;
	[tilespmem:$0x10600] =	vst v63  }
0x12: {  	_ =	swait.ge [sflag:s11], $0x200  }
0x13: {  	[sflag:s11] =	ssyncset.done $0x0  }
0x14: {  	[sflag:s11] =	ssyncadd.s32 $0xFFFFFE00  }
0x15: {  	[tilespmem:s12], [sflag:$0x5] =	stream.linear.gather [hbm4b:s6+s2], $0x200, $0x38;
	[tilespmem:$0x10600] =	vst v63  }
0x16: {  	_ =	swait.ge [sflag:s11], $0x200  }
0x17: {  	[sflag:s11] =	ssyncset.done $0x0  }
0x18: {  	s20 =	simm.s32 $0x400;
	[sflag:s11] =	ssyncadd.s32 $0xFFFFFE00  }
0x19: {  	[tilespmem:s20], [sflag:$0x1] =	stream.indirect.gather [hbm4b:s3+s12], $0x1, s2, s12, $0xb8;
	[tilespmem:$0x10600] =	vst v63  }
0x1a: {  	s31 =	simm.s32 $0x8400  }
0x1b: {  	[tilespmem:s31], [sflag:$0x2] =	stream.indirect.gather [hbm4b:s4+s12], $0x1, s12, s12, $0xb8;
	[tilespmem:$0x10600] =	vst v63  }
0x1c: {  	_ =	swait.ge [sflag:s13], $0x200  }
0x1d: {  	[sflag:s13] =	ssyncset.done $0x0  }
0x1e: {  	[sflag:s13] =	ssyncadd.s32 $0xFFFFFE00  }
0x1f: {  	s23 =	simm.s32 $0x1000;
	s22 =	simm.s32 $0x200;
	_ =	swait.ge [sflag:s14], $0x200  }
0x20: {  	s21 =	sadd.s32 $0x1E848, s3;
	s20 =	sadd.s32 $0x1E848, s4;
	[sflag:s14] =	ssyncset.done $0x0  }
.LBB2_2:
0x21: {  	s24 =	sadd.s32 $0x400, s22  }
0x22: {  	[sflag:s14] =	ssyncadd.s32 $0xFFFFFE00;
	s25 =	smov.u32 s23;
	s26 =	sadd.s32 $0x800, s23  }
0x23: {  	[tilespmem:s24], [sflag:$0x1] =	stream.indirect.gather [hbm4b:s21+s12], $0x1, s2, s12, $0xb8;
	[tilespmem:$0x10600] =	vst v63  }
0x24: {  	p0 =	sne.s32 s23, $0x1F800;
	s22 =	sadd.s32 $0x8400, s22  }
0x25: {  	[tilespmem:s22], [sflag:$0x2] =	stream.indirect.gather [hbm4b:s20+s12], $0x1, s12, s12, $0xb8;
	[tilespmem:$0x10600] =	vst v63  }
.Ltmp0:
0x26: {  	_ =	swait.ge [sflag:s13], $0x200;
	(pc) =	sbr.rel @p0 .LBB2_2-.Ltmp0, $4  }
0x27: {  	[sflag:s13] =	ssyncset.done $0x0  }
0x28: {  	[sflag:s13] =	ssyncadd.s32 $0xFFFFFE00  }
0x29: {  	s21 =	sadd.s32 $0x1E848, s21;
	s20 =	sadd.s32 $0x1E848, s20;
	_ =	swait.ge [sflag:s14], $0x200  }
0x2a: {  	s23 =	smov.u32 s26;
	s22 =	sshra.s32 s25, $0x2;
	[sflag:s14] =	ssyncset.done $0x0  }
0x2b: {  	s23 =	sadd.s32 $0x400, s22;
	[sflag:s14] =	ssyncadd.s32 $0xFFFFFE00  }
0x2c: {  	[tilespmem:s23], [sflag:$0x1] =	stream.indirect.gather [hbm4b:s21+s12], $0x1, s2, s12, $0xb8;
	[tilespmem:$0x10600] =	vst v63  }
0x2d: {  	s31 =	sadd.s32 $0x8400, s22  }
0x2e: {  	[tilespmem:s31], [sflag:$0x2] =	stream.indirect.gather [hbm4b:s20+s12], $0x1, s12, s12, $0xb8;
	[tilespmem:$0x10600] =	vst v63  }
0x2f: {  	_ =	swait.ge [sflag:s13], $0x200  }
0x30: {  	[sflag:s13] =	ssyncset.done $0x0  }
0x31: {  	[sflag:s13] =	ssyncadd.s32 $0xFFFFFE00  }
0x32: {  	_ =	swait.ge [sflag:s14], $0x200  }
0x33: {  	[sflag:s14] =	ssyncset.done $0x0  }
0x34: {  	s20 =	simm.s32 $0x400;
	[sflag:s14] =	ssyncadd.s32 $0xFFFFFE00  }
0x35: {  	[hbm4b:s7+s12] =	stream.strided.scatter [tilespmem:s20], [sflag:$0x3], $0x8000, s15, s12, $0x38;
	[tilespmem:$0x10600] =	vst v63  }
0x36: {  	s21 =	simm.s32 $0x8400  }
0x37: {  	[hbm4b:s8+s12] =	stream.strided.scatter [tilespmem:s21], [sflag:$0x4], $0x8000, s15, s12, $0x38;
	[tilespmem:$0x10600] =	vst v63  }
0x38: {  	[tilespmem:$0x10400] =	vst v0  }
0x39: {  	[tilespmem:$0x10410] =	vst v0  }
0x3a: {  	[tilespmem:$0x10420] =	vst v0  }
0x3b: {  	[tilespmem:$0x10430] =	vst v0  }
0x3c: {  	[tilespmem:$0x10440] =	vst v0  }
0x3d: {  	[tilespmem:$0x10450] =	vst v0  }
0x3e: {  	[tilespmem:$0x10460] =	vst v0  }
0x3f: {  	[tilespmem:$0x10470] =	vst v0  }
0x40: {  	[tilespmem:$0x10480] =	vst v0  }
0x41: {  	[tilespmem:$0x10490] =	vst v0  }
0x42: {  	[tilespmem:$0x104A0] =	vst v0  }
0x43: {  	[tilespmem:$0x104B0] =	vst v0  }
0x44: {  	[tilespmem:$0x104C0] =	vst v0  }
0x45: {  	[tilespmem:$0x104D0] =	vst v0  }
0x46: {  	[tilespmem:$0x104E0] =	vst v0  }
0x47: {  	[tilespmem:$0x104F0] =	vst v0  }
0x48: {  	[tilespmem:$0x10500] =	vst v0  }
0x49: {  	[tilespmem:$0x10510] =	vst v0  }
0x4a: {  	[tilespmem:$0x10520] =	vst v0  }
0x4b: {  	[tilespmem:$0x10530] =	vst v0  }
0x4c: {  	[tilespmem:$0x10540] =	vst v0  }
0x4d: {  	[tilespmem:$0x10550] =	vst v0  }
0x4e: {  	[tilespmem:$0x10560] =	vst v0  }
0x4f: {  	[tilespmem:$0x10570] =	vst v0  }
0x50: {  	[tilespmem:$0x10580] =	vst v0  }
0x51: {  	[tilespmem:$0x10590] =	vst v0  }
0x52: {  	[tilespmem:$0x105A0] =	vst v0  }
0x53: {  	[tilespmem:$0x105B0] =	vst v0  }
0x54: {  	[tilespmem:$0x105C0] =	vst v0  }
0x55: {  	[tilespmem:$0x105D0] =	vst v0  }
0x56: {  	[tilespmem:$0x105E0] =	vst v0  }
0x57: {  	s22 =	simm.s32 $0x0;
	[tilespmem:$0x105F0] =	vst v0  }
.LBB2_4:
0x58: {  	v1 =	vmov s21  }
0x59: {  	v2 =	vmov s20;
	_ =	sdelay $0x2  }
0x5a: {  	s23 =	simm.s32 $0x0  }
0x5b: {  	s24 =	simm.s32 $0x40;
	v3 =	vld.idx.msk [tilespmem:v1+s23+$0x0 ss:$0x1], $0xffff  }
.LBB2_5:
0x5c: {  	p0 =	sne.s32 s24, $0x7C0;
	v4 =	vld.idx.msk [tilespmem:v2+s23+$0x0 ss:$0x1], $0xffff;
	_ =	sdelay $0x2  }
0x5d: {  	v5 =	vld [tilespmem:s23+$0x10400];
	_ =	sdelay $0x2  }
0x5e: {  	v3 =	vmul.f32 v3, v4  }
.Ltmp1:
0x5f: {  	(pc) =	sbr.rel @p0 .LBB2_5-.Ltmp1, $3  }
0x60: {  	v3 =	vadd.f32 v3, v5;
	_ =	sdelay $0x1  }
0x61: {  	[tilespmem:s23+$0x10400] =	vst v3;
	s23 =	sshra.s32 s24, $0x2  }
0x62: {  	s24 =	sadd.s32 $0x40, s24;
	v3 =	vld.idx.msk [tilespmem:v1+s23+$0x0 ss:$0x1], $0xffff  }
0x63: {  	_ =	sdelay $0x3  }
0x64: {  	v1 =	vld.idx.msk [tilespmem:v2+s23+$0x0 ss:$0x1], $0xffff;
	_ =	sdelay $0x1  }
0x65: {  	v2 =	vld [tilespmem:s23+$0x10400]  }
0x66: {  	s22 =	sadd.s32 $0x1, s22  }
0x67: {  	p0 =	sne.s32 s22, $0x40  }
.Ltmp2:
0x68: {  	v1 =	vmul.f32 v3, v1;
	(pc) =	sbr.rel @p0 .LBB2_4-.Ltmp2, $3  }
0x69: {  	_ = 	snop  }
0x6a: {  	v1 =	vadd.f32 v1, v2;
	_ =	sdelay $0x1  }
0x6b: {  	s20 =	sadd.s32 $0x200, s20;
	s21 =	sadd.s32 $0x200, s21;
	[tilespmem:s23+$0x10400] =	vst v1  }
0x6c: {  	[hbm4b:s9+s2] =	stream.linear.scatter [tilespmem:s16], [sflag:$0x5], $0x200, $0x38;
	[tilespmem:$0x10600] =	vst v63  }
0x6d: {  	_ =	swait.ge [sflag:s11], $0x200  }
0x6e: {  	[sflag:s11] =	ssyncset.done $0x0  }
0x6f: {  	s19 =	sadd.s32 $0x1, s19;
	[sflag:s11] =	ssyncadd.s32 $0xFFFFFE00  }
0x70: {  	p0 =	sne.s32 s19, s10;
	_ =	swait.ge [sflag:s17], $0x8000  }
.Ltmp3:
0x71: {  	[sflag:s17] =	ssyncset.done $0x0;
	(pc) =	sbr.rel @p0 .LBB2_1-.Ltmp3, $4  }
0x72: {  	[sflag:s17] =	ssyncadd.s32 $0xFFFF8000  }
0x73: {  	_ =	swait.ge [sflag:s18], $0x8000  }
0x74: {  	[sflag:s18] =	ssyncset.done $0x0  }
0x75: {  	[sflag:s18] =	ssyncadd.s32 $0xFFFF8000  }
0x76: {  	_ =	sfence.sel $0x180000  }
0x77: {  	[bflag:$0x0] =	sbarrier.arrive $0xFFFF  }
0x78: {  	p0 =	sne.s32 s1, $0x0;
	_ =	strace $0x90000047  }
0x79: {  	s0 =	sadd.s32 @!p0 $0x100000, s0;
	[bflag:$0x2] =	sbarrier.arrive $0xFFFF  }
0x7a: {  	[sflag:s0] =	ssyncadd.tile.s32 @!p0 $0x1;
	_ =	shalt  }
.Lfunc_end2:
_tile_overlayer_lowered:
.L_overlay_start_2:
0x7b: {  	(tag) =	ssettag $0x2  }
0x7c: {  	s0 =	rddreg [dreg:$0x0];
	s2 =	stileid.u32  }
0x7d: {  	s1 =	rddreg [dreg:$0x1];
	p0 =	sne.s32 s2, $0x0  }
0x7e: {  	s3 =	rddreg [dreg:$0x2];
	[bflag:$0x3] =	sbarrier.arrive $0xFFFF;
	s2 =	simm.s32 @!p0 $0x1C05  }
0x7f: {  	[timem:s3], [sflag:s2] =	dma.local @!p0 [hbm:s0], s1  }
0x80: {  	s0 =	simm.s32 @!p0 $0x5  }
0x81: {  	_ =	swait.ge @!p0 [sflag:s0], s1  }
0x82: {  	s1 =	ssub.s32 @!p0 $0x0, s1;
	[sflag:s0] =	ssyncset.done @!p0 $0x0  }
0x83: {  	[sflag:s0] =	ssyncadd.s32 @!p0 s1  }
0x84: {  	[bflag:$0x3] =	sbarrier.arrive $0xFFFF  }
0x85: {  	_ =	shalt  }

</sc_bundles>
